<compile_context>
chip_gen: v7x
topology: tpu7x:2x2x1
jax: 0.10.2.dev20260603
libtpu: 0.0.44.dev20260713+nightly
codegen_flags: <defaults>
</compile_context>

<pallas_src>
import functools

import jax
import jax.numpy as jnp
from jax import lax
from jax.experimental import pallas as pl
from jax.experimental.pallas import tpu as pltpu
from jax.experimental.pallas import tpu_sc as plsc

D = 128
DP = D // 2
N_NODES = 10000
DEG = 32

NC = 2
NS = 16
NW = NC * NS

CH = 120
_GRAN = NW * CH

S = 1
NSL = N_NODES // S
BES = NSL * DEG
_B_RAW_S = BES + NSL
B_SLAB = -(-_B_RAW_S // (2 * _GRAN)) * (2 * _GRAN)
BPW = B_SLAB // NW
NCHUNK = BPW // CH
NPAIR = NCHUNK // 2

BN = 80
GRID = NSL // BN
UOFF = BES // BN

LAST_NEIGH = BES - (NW - 1) * BPW
U_LEN = B_SLAB - BES


def _sc_gather_body(table_hbm, neigh_hbm, nodes_hbm, out_hbm, idx_v, buf0,
                    buf1, gsem0, gsem1, ssem0, ssem1):
    c = lax.axis_index("c")
    s = lax.axis_index("s")
    wid = s * NC + c
    base = wid * BPW

    @pl.when(wid < NW - 1)
    def _():
        pltpu.sync_copy(neigh_hbm.at[pl.ds(base, BPW)], idx_v)

    @pl.when(wid == NW - 1)
    def _():
        pltpu.sync_copy(neigh_hbm.at[pl.ds(base, LAST_NEIGH)],
                        idx_v.at[pl.ds(0, LAST_NEIGH)])
        pltpu.sync_copy(nodes_hbm.at[pl.ds(0, U_LEN)],
                        idx_v.at[pl.ds(LAST_NEIGH, U_LEN)])

    def gather(j, buf, sem):
        return pltpu.make_async_copy(
            table_hbm.at[idx_v.at[pl.ds(j * CH, CH)]], buf, sem)

    def scat(j, buf, sem):
        return pltpu.make_async_copy(
            buf, out_hbm.at[pl.ds(base + j * CH, CH)], sem)

    gather(0, buf0, gsem0).start()

    def pair_body(p, carry):
        a = 2 * p
        gather(a, buf0, gsem0).wait()

        @pl.when(p > 0)
        def _():
            scat(a - 1, buf1, ssem1).wait()

        gather(a + 1, buf1, gsem1).start()
        scat(a, buf0, ssem0).start()
        gather(a + 1, buf1, gsem1).wait()
        scat(a, buf0, ssem0).wait()

        @pl.when(p + 1 < NPAIR)
        def _():
            gather(a + 2, buf0, gsem0).start()

        scat(a + 1, buf1, ssem1).start()
        return carry

    lax.fori_loop(0, NPAIR, pair_body, 0)
    scat(NCHUNK - 1, buf1, ssem1).wait()


def _make_sc_gather():
    return functools.partial(
        pl.kernel,
        mesh=plsc.VectorSubcoreMesh(core_axis_name="c", subcore_axis_name="s"),
        out_type=jax.ShapeDtypeStruct((B_SLAB, D), jnp.float32),
        scratch_types=[
            pltpu.VMEM((BPW,), jnp.int32),
            pltpu.VMEM((CH, D), jnp.float32),
            pltpu.VMEM((CH, D), jnp.float32),
            pltpu.SemaphoreType.DMA,
            pltpu.SemaphoreType.DMA,
            pltpu.SemaphoreType.DMA,
            pltpu.SemaphoreType.DMA,
        ],
    )(_sc_gather_body)


def _tc_mlp_body(e_ref, u_ref, w1a_ref, w1b_ref, b1_ref, w2_ref, b2_ref,
                 w3t_ref, out_ref):
    e = e_ref[...]
    u = u_ref[...]
    h1 = jnp.dot(e.astype(jnp.bfloat16), w1a_ref[...],
                 preferred_element_type=jnp.float32)
    hu = jnp.dot(u.astype(jnp.bfloat16), w1b_ref[...],
                 preferred_element_type=jnp.float32)
    hu = hu + b1_ref[...]
    h1 = h1.reshape(BN, DEG, D) + hu[:, None, :]
    h1 = jnp.maximum(h1, 0.0).reshape(BN * DEG, D)
    h2 = jnp.dot(h1.astype(jnp.bfloat16), w2_ref[...],
                 preferred_element_type=jnp.float32)
    h2 = jnp.maximum(h2 + b2_ref[...], 0.0)
    h23 = h2.reshape(BN, DEG, D)
    logits = jnp.sum(h23 * w3t_ref[...][None], axis=2, keepdims=True)
    m = jnp.max(logits, axis=1, keepdims=True)
    p = jnp.exp(logits - m)
    att = p / jnp.sum(p, axis=1, keepdims=True)
    out_ref[...] = jnp.sum(e.reshape(BN, DEG, D) * att, axis=1)


_tc_mlp = pl.pallas_call(
    _tc_mlp_body,
    grid=(GRID,),
    in_specs=[
        pl.BlockSpec((BN * DEG, D), lambda i: (i, 0)),
        pl.BlockSpec((BN, D), lambda i: (UOFF + i, 0)),
        pl.BlockSpec((D, D), lambda i: (0, 0)),
        pl.BlockSpec((D, D), lambda i: (0, 0)),
        pl.BlockSpec((1, D), lambda i: (0, 0)),
        pl.BlockSpec((D, D), lambda i: (0, 0)),
        pl.BlockSpec((1, D), lambda i: (0, 0)),
        pl.BlockSpec((1, D), lambda i: (0, 0)),
    ],
    out_specs=pl.BlockSpec((BN, D), lambda i: (i, 0)),
    out_shape=jax.ShapeDtypeStruct((NSL, D), jnp.float32),
    compiler_params=pltpu.CompilerParams(
        dimension_semantics=("parallel",)),
)


def kernel(nodes, neigh_idx, u2e, W1, b1, W2, b2, W3, b3):
    w1a = W1[:D].astype(jnp.bfloat16)
    w1b = W1[D:].astype(jnp.bfloat16)
    w2 = W2.astype(jnp.bfloat16)
    b1r = b1.reshape(1, D)
    b2r = b2.reshape(1, D)
    w3t = W3.reshape(1, D)
    nodes_pad = jnp.concatenate([
        nodes, jnp.zeros((U_LEN - NSL,), jnp.int32)])
    g = _make_sc_gather()(u2e, neigh_idx.reshape(-1), nodes_pad)
    return _tc_mlp(g, g, w1a, w1b, b1r, w2, b2r, w3t)

# --- scband reference (transcript-rebuilt; emitter-appended) ---
"""Pipeline reference for scband-social-aggregator-90829968376431 (READ-ONLY COPY).

The authoritative reference and input builder live on the scoring server;
editing this copy changes nothing except your own understanding.
"""

import jax, jax.numpy as jnp
import numpy as np

NUM_USERS = 50000
EMBED_DIM = 128
N_NODES = 10000
DEG = 32

def setup_inputs(seed: int = 0) -> dict:
    key = jax.random.key(seed)
    ks = jax.random.split(key, 10)
    nodes = jax.random.randint(ks[0], (N_NODES,), 0, NUM_USERS, dtype=jnp.int64 if jax.config.jax_enable_x64 else jnp.int32).astype(jnp.int32)
    neigh_idx = jax.random.randint(ks[1], (N_NODES, DEG), 0, NUM_USERS).astype(jnp.int32)
    u2e = jax.random.normal(ks[2], (NUM_USERS, EMBED_DIM), dtype=jnp.float32) * 0.05
    # GraphRec-style Attention(embed_dim): att1: Linear(2D, D), att2: Linear(D, D), att3: Linear(D, 1)
    W1 = jax.random.normal(ks[3], (2 * EMBED_DIM, EMBED_DIM), dtype=jnp.float32) * 0.05
    b1 = jnp.zeros((EMBED_DIM,), dtype=jnp.float32)
    W2 = jax.random.normal(ks[4], (EMBED_DIM, EMBED_DIM), dtype=jnp.float32) * 0.05
    b2 = jnp.zeros((EMBED_DIM,), dtype=jnp.float32)
    W3 = jax.random.normal(ks[5], (EMBED_DIM, 1), dtype=jnp.float32) * 0.05
    b3 = jnp.zeros((1,), dtype=jnp.float32)
    return {"nodes": nodes, "neigh_idx": neigh_idx, "u2e": u2e, "W1": W1, "b1": b1, "W2": W2, "b2": b2, "W3": W3, "b3": b3}

def reference(nodes, neigh_idx, u2e, W1, b1, W2, b2, W3, b3):
    # e_u = u2e.weight[tmp_adj]  -> gather neighbor embeddings
    e_u = jnp.take(u2e, neigh_idx, axis=0)              # [N, deg, D]
    # u_rep = u2e.weight[nodes[i]]
    u_rep = jnp.take(u2e, nodes, axis=0)                # [N, D]
    u_rep_b = jnp.broadcast_to(u_rep[:, None, :], e_u.shape)  # repeat(num_neighs, 1)
    x = jnp.concatenate([e_u, u_rep_b], axis=-1)        # [N, deg, 2D]
    h = jax.nn.relu(x @ W1 + b1)                        # dropout is identity in eval mode
    h = jax.nn.relu(h @ W2 + b2)
    logits = h @ W3 + b3                                # [N, deg, 1]
    att = jax.nn.softmax(logits, axis=1)                # softmax over neighbors (dim=0 per node)
    # att_history = torch.mm(e_u.t(), att_w).t() -> weighted sum over neighbors
    out = jnp.sum(e_u * att, axis=1)                    # [N, D]
    return out

if __name__ == "__main__":
    import jax
    _d = setup_inputs()
    print(jax.jit(kernel)(*tuple(_d.values())))

</pallas_src>

<mosaic_0001>
#map = affine_map<(d0, d1) -> (0, 0)>
#map1 = affine_map<(d0, d1) -> (0)>
module attributes {stable_mosaic.version = 14 : i64} {
  func.func @_sc_gather_body(%arg0: i32, %arg1: i32, %arg2: memref<50000x128xf32, #tpu.memory_space<hbm>>, %arg3: memref<320000xi32, #tpu.memory_space<hbm>>, %arg4: memref<10240xi32, #tpu.memory_space<hbm>>, %arg5: memref<330240x128xf32, #tpu.memory_space<hbm>>, %arg6: memref<10320xi32, #tpu.memory_space<vmem>>, %arg7: memref<120x128xf32, #tpu.memory_space<vmem>>, %arg8: memref<120x128xf32, #tpu.memory_space<vmem>>, %arg9: memref<!tpu.dma_semaphore, #tpu.memory_space<semaphore_mem>>, %arg10: memref<!tpu.dma_semaphore, #tpu.memory_space<semaphore_mem>>, %arg11: memref<!tpu.dma_semaphore, #tpu.memory_space<semaphore_mem>>, %arg12: memref<!tpu.dma_semaphore, #tpu.memory_space<semaphore_mem>>) attributes {dimension_semantics = [#tpu.dimension_semantics<core_parallel>, #tpu.dimension_semantics<subcore_parallel>], iteration_bounds = array<i64: 2, 16>, scalar_prefetch = 0 : i64, scratch_operands = 7 : i64, tpu.core_type = #tpu.core_type<sc_vector_subcore>, window_params = [{transform_indices = #map}, {transform_indices = #map1}, {transform_indices = #map1}, {transform_indices = #map}]} {
    %mul3A = arith.constant 2 : i32
    %mul3A_0 = arith.muli %arg1, %mul3A : i32
    %add3A = arith.addi %mul3A_0, %arg0 : i32
    %mul3A_1 = arith.constant 10320 : i32
    %mul3A_2 = arith.muli %add3A, %mul3A_1 : i32
    %lt3A = arith.constant 31 : i32
    %lt3A_3 = arith.cmpi slt, %add3A, %lt3A : i32
    %convert_element_type3A = arith.extui %lt3A_3 : i1 to i32
    %cond3A = arith.constant 0 : i32
    %cond3A_4 = arith.cmpi ne, %convert_element_type3A, %cond3A : i32
    scf.if %cond3A_4 {
      "tpu.region"() ({
        %run_scoped3A = tpu.sem_alloc : memref<!tpu.dma_semaphore, #tpu.memory_space<semaphore_mem>>
        %dma_start3A_23 = tpu.memref_slice %arg3[%mul3A_2] : memref<320000xi32, #tpu.memory_space<hbm>> -> memref<10320xi32, #tpu.memory_space<hbm>>
        %dma_start3A_24 = tpu.memref_slice %arg3[%mul3A_2] : memref<320000xi32, #tpu.memory_space<hbm>> -> memref<10320xi32, #tpu.memory_space<hbm>>
        tpu.enqueue_dma source(%dma_start3A_24 : memref<10320xi32, #tpu.memory_space<hbm>>) target(%arg6 : memref<10320xi32, #tpu.memory_space<vmem>>) target_semaphore(%run_scoped3A : memref<!tpu.dma_semaphore, #tpu.memory_space<semaphore_mem>>)
        %dma_wait3A_25 = tpu.memref_slice %arg3[%mul3A_2] : memref<320000xi32, #tpu.memory_space<hbm>> -> memref<10320xi32, #tpu.memory_space<hbm>>
        %dma_wait3A_26 = tpu.memref_slice %arg3[%mul3A_2] : memref<320000xi32, #tpu.memory_space<hbm>> -> memref<10320xi32, #tpu.memory_space<hbm>>
        tpu.wait_dma2 semaphore(%run_scoped3A : memref<!tpu.dma_semaphore, #tpu.memory_space<semaphore_mem>>) src(%dma_wait3A_26 : memref<10320xi32, #tpu.memory_space<hbm>>) dst(%arg6 : memref<10320xi32, #tpu.memory_space<vmem>>)
        tpu.yield
      }) : () -> ()
    } else {
    }
    %eq3A = arith.constant 31 : i32
    %eq3A_5 = arith.cmpi eq, %add3A, %eq3A : i32
    %convert_element_type3A_6 = arith.extui %eq3A_5 : i1 to i32
    %cond3A_7 = arith.constant 0 : i32
    %cond3A_8 = arith.cmpi ne, %convert_element_type3A_6, %cond3A_7 : i32
    scf.if %cond3A_8 {
      "tpu.region"() ({
        %run_scoped3A = tpu.sem_alloc : memref<!tpu.dma_semaphore, #tpu.memory_space<semaphore_mem>>
        %dma_start3A_23 = arith.constant 0 : i32
        %dma_start3A_24 = tpu.memref_slice %arg6[%dma_start3A_23] : memref<10320xi32, #tpu.memory_space<vmem>> -> memref<80xi32, #tpu.memory_space<vmem>>
        %dma_start3A_25 = tpu.memref_slice %arg3[%mul3A_2] : memref<320000xi32, #tpu.memory_space<hbm>> -> memref<80xi32, #tpu.memory_space<hbm>>
        %dma_start3A_26 = arith.constant 0 : i32
        %dma_start3A_27 = tpu.memref_slice %arg6[%dma_start3A_26] : memref<10320xi32, #tpu.memory_space<vmem>> -> memref<80xi32, #tpu.memory_space<vmem>>
        %dma_start3A_28 = tpu.memref_slice %arg3[%mul3A_2] : memref<320000xi32, #tpu.memory_space<hbm>> -> memref<80xi32, #tpu.memory_space<hbm>>
        tpu.enqueue_dma source(%dma_start3A_28 : memref<80xi32, #tpu.memory_space<hbm>>) target(%dma_start3A_27 : memref<80xi32, #tpu.memory_space<vmem>>) target_semaphore(%run_scoped3A : memref<!tpu.dma_semaphore, #tpu.memory_space<semaphore_mem>>)
        %dma_wait3A_29 = arith.constant 0 : i32
        %dma_wait3A_30 = tpu.memref_slice %arg6[%dma_wait3A_29] : memref<10320xi32, #tpu.memory_space<vmem>> -> memref<80xi32, #tpu.memory_space<vmem>>
        %dma_wait3A_31 = tpu.memref_slice %arg3[%mul3A_2] : memref<320000xi32, #tpu.memory_space<hbm>> -> memref<80xi32, #tpu.memory_space<hbm>>
        %dma_wait3A_32 = arith.constant 0 : i32
        %dma_wait3A_33 = tpu.memref_slice %arg6[%dma_wait3A_32] : memref<10320xi32, #tpu.memory_space<vmem>> -> memref<80xi32, #tpu.memory_space<vmem>>
        %dma_wait3A_34 = tpu.memref_slice %arg3[%mul3A_2] : memref<320000xi32, #tpu.memory_space<hbm>> -> memref<80xi32, #tpu.memory_space<hbm>>
        tpu.wait_dma2 semaphore(%run_scoped3A : memref<!tpu.dma_semaphore, #tpu.memory_space<semaphore_mem>>) src(%dma_wait3A_34 : memref<80xi32, #tpu.memory_space<hbm>>) dst(%dma_wait3A_33 : memref<80xi32, #tpu.memory_space<vmem>>)
        tpu.yield
      }) : () -> ()
      "tpu.region"() ({
        %run_scoped3A = tpu.sem_alloc : memref<!tpu.dma_semaphore, #tpu.memory_space<semaphore_mem>>
        %dma_start3A_23 = arith.constant 80 : i32
        %dma_start3A_24 = tpu.memref_slice %arg6[%dma_start3A_23] : memref<10320xi32, #tpu.memory_space<vmem>> -> memref<10240xi32, #tpu.memory_space<vmem>>
        %dma_start3A_25 = arith.constant 0 : i32
        %dma_start3A_26 = tpu.memref_slice %arg4[%dma_start3A_25] : memref<10240xi32, #tpu.memory_space<hbm>> -> memref<10240xi32, #tpu.memory_space<hbm>>
        %dma_start3A_27 = arith.constant 80 : i32
        %dma_start3A_28 = tpu.memref_slice %arg6[%dma_start3A_27] : memref<10320xi32, #tpu.memory_space<vmem>> -> memref<10240xi32, #tpu.memory_space<vmem>>
        %dma_start3A_29 = arith.constant 0 : i32
        %dma_start3A_30 = tpu.memref_slice %arg4[%dma_start3A_29] : memref<10240xi32, #tpu.memory_space<hbm>> -> memref<10240xi32, #tpu.memory_space<hbm>>
        tpu.enqueue_dma source(%dma_start3A_30 : memref<10240xi32, #tpu.memory_space<hbm>>) target(%dma_start3A_28 : memref<10240xi32, #tpu.memory_space<vmem>>) target_semaphore(%run_scoped3A : memref<!tpu.dma_semaphore, #tpu.memory_space<semaphore_mem>>)
        %dma_wait3A_31 = arith.constant 80 : i32
        %dma_wait3A_32 = tpu.memref_slice %arg6[%dma_wait3A_31] : memref<10320xi32, #tpu.memory_space<vmem>> -> memref<10240xi32, #tpu.memory_space<vmem>>
        %dma_wait3A_33 = arith.constant 0 : i32
        %dma_wait3A_34 = tpu.memref_slice %arg4[%dma_wait3A_33] : memref<10240xi32, #tpu.memory_space<hbm>> -> memref<10240xi32, #tpu.memory_space<hbm>>
        %dma_wait3A_35 = arith.constant 80 : i32
        %dma_wait3A_36 = tpu.memref_slice %arg6[%dma_wait3A_35] : memref<10320xi32, #tpu.memory_space<vmem>> -> memref<10240xi32, #tpu.memory_space<vmem>>
        %dma_wait3A_37 = arith.constant 0 : i32
        %dma_wait3A_38 = tpu.memref_slice %arg4[%dma_wait3A_37] : memref<10240xi32, #tpu.memory_space<hbm>> -> memref<10240xi32, #tpu.memory_space<hbm>>
        tpu.wait_dma2 semaphore(%run_scoped3A : memref<!tpu.dma_semaphore, #tpu.memory_space<semaphore_mem>>) src(%dma_wait3A_38 : memref<10240xi32, #tpu.memory_space<hbm>>) dst(%dma_wait3A_36 : memref<10240xi32, #tpu.memory_space<vmem>>)
        tpu.yield
      }) : () -> ()
    } else {
    }
    %dma_start3A = arith.constant 0 : i32
    %dma_start3A_9 = tpu.memref_slice %arg6[%dma_start3A] : memref<10320xi32, #tpu.memory_space<vmem>> -> memref<120xi32, #tpu.memory_space<vmem>>
    %dma_start3A_10 = arith.constant 0 : i32
    %dma_start3A_11 = arith.constant 0 : i32
    %dma_start3A_12 = tpu.memref_slice %arg2[%dma_start3A_10, %dma_start3A_11] : memref<50000x128xf32, #tpu.memory_space<hbm>> -> memref<50000x128xf32, #tpu.memory_space<hbm>>
    tpu.enqueue_indirect_dma source(%dma_start3A_12 : memref<50000x128xf32, #tpu.memory_space<hbm>>) target(%arg7 : memref<120x128xf32, #tpu.memory_space<vmem>>) offsets(%dma_start3A_9 : memref<120xi32, #tpu.memory_space<vmem>>) semaphore(%arg9 : memref<!tpu.dma_semaphore, #tpu.memory_space<semaphore_mem>>)
    %scan3A = arith.constant 0 : i32
    %scan3A_13 = arith.constant 0 : i32
    %scan3A_14 = arith.constant 43 : i32
    %scan3A_15 = arith.addi %scan3A_13, %scan3A_14 : i32
    %scan3A_16 = arith.constant 1 : i32
    scf.for %scan3A_23 = %scan3A_13 to %scan3A_15 step %scan3A_16  : i32 {
      %mul3A_24 = arith.constant 2 : i32
      %mul3A_25 = arith.muli %mul3A_24, %scan3A_23 : i32
      %mul3A_26 = arith.constant 120 : i32
      %mul3A_27 = arith.muli %mul3A_25, %mul3A_26 : i32
      %dma_wait3A_28 = tpu.memref_slice %arg6[%mul3A_27] : memref<10320xi32, #tpu.memory_space<vmem>> -> memref<120xi32, #tpu.memory_space<vmem>>
      %dma_wait3A_29 = arith.constant 0 : i32
      %dma_wait3A_30 = arith.constant 0 : i32
      %dma_wait3A_31 = tpu.memref_slice %arg2[%dma_wait3A_29, %dma_wait3A_30] : memref<50000x128xf32, #tpu.memory_space<hbm>> -> memref<50000x128xf32, #tpu.memory_space<hbm>>
      tpu.wait_indirect_dma semaphore(%arg9 : memref<!tpu.dma_semaphore, #tpu.memory_space<semaphore_mem>>) src(%dma_wait3A_31 : memref<50000x128xf32, #tpu.memory_space<hbm>>) dst(%arg7 : memref<120x128xf32, #tpu.memory_space<vmem>>)
      %gt3A = arith.constant 0 : i32
      %gt3A_32 = arith.cmpi sgt, %scan3A_23, %gt3A : i32
      %convert_element_type3A_33 = arith.extui %gt3A_32 : i1 to i32
      %cond3A_34 = arith.constant 0 : i32
      %cond3A_35 = arith.cmpi ne, %convert_element_type3A_33, %cond3A_34 : i32
      scf.if %cond3A_35 {
        %sub3A = arith.constant 1 : i32
        %sub3A_82 = arith.subi %mul3A_25, %sub3A : i32
        %mul3A_83 = arith.constant 120 : i32
        %mul3A_84 = arith.muli %sub3A_82, %mul3A_83 : i32
        %add3A_85 = arith.addi %mul3A_2, %mul3A_84 : i32
        %dma_wait3A_86 = arith.constant 0 : i32
        %dma_wait3A_87 = tpu.memref_slice %arg5[%add3A_85, %dma_wait3A_86] : memref<330240x128xf32, #tpu.memory_space<hbm>> -> memref<120x128xf32, #tpu.memory_space<hbm>>
        %dma_wait3A_88 = arith.constant 0 : i32
        %dma_wait3A_89 = tpu.memref_slice %arg5[%add3A_85, %dma_wait3A_88] : memref<330240x128xf32, #tpu.memory_space<hbm>> -> memref<120x128xf32, #tpu.memory_space<hbm>>
        tpu.wait_dma2 semaphore(%arg12 : memref<!tpu.dma_semaphore, #tpu.memory_space<semaphore_mem>>) src(%arg8 : memref<120x128xf32, #tpu.memory_space<vmem>>) dst(%dma_wait3A_89 : memref<120x128xf32, #tpu.memory_space<hbm>>)
      } else {
      }
      %add3A_36 = arith.constant 1 : i32
      %add3A_37 = arith.addi %mul3A_25, %add3A_36 : i32
      %mul3A_38 = arith.constant 120 : i32
      %mul3A_39 = arith.muli %add3A_37, %mul3A_38 : i32
      %dma_start3A_40 = tpu.memref_slice %arg6[%mul3A_39] : memref<10320xi32, #tpu.memory_space<vmem>> -> memref<120xi32, #tpu.memory_space<vmem>>
      %dma_start3A_41 = arith.constant 0 : i32
      %dma_start3A_42 = arith.constant 0 : i32
      %dma_start3A_43 = tpu.memref_slice %arg2[%dma_start3A_41, %dma_start3A_42] : memref<50000x128xf32, #tpu.memory_space<hbm>> -> memref<50000x128xf32, #tpu.memory_space<hbm>>
      tpu.enqueue_indirect_dma source(%dma_start3A_43 : memref<50000x128xf32, #tpu.memory_space<hbm>>) target(%arg8 : memref<120x128xf32, #tpu.memory_space<vmem>>) offsets(%dma_start3A_40 : memref<120xi32, #tpu.memory_space<vmem>>) semaphore(%arg10 : memref<!tpu.dma_semaphore, #tpu.memory_space<semaphore_mem>>)
      %mul3A_44 = arith.constant 120 : i32
      %mul3A_45 = arith.muli %mul3A_25, %mul3A_44 : i32
      %add3A_46 = arith.addi %mul3A_2, %mul3A_45 : i32
      %dma_start3A_47 = arith.constant 0 : i32
      %dma_start3A_48 = tpu.memref_slice %arg5[%add3A_46, %dma_start3A_47] : memref<330240x128xf32, #tpu.memory_space<hbm>> -> memref<120x128xf32, #tpu.memory_space<hbm>>
      %dma_start3A_49 = arith.constant 0 : i32
      %dma_start3A_50 = tpu.memref_slice %arg5[%add3A_46, %dma_start3A_49] : memref<330240x128xf32, #tpu.memory_space<hbm>> -> memref<120x128xf32, #tpu.memory_space<hbm>>
      tpu.enqueue_dma source(%arg7 : memref<120x128xf32, #tpu.memory_space<vmem>>) target(%dma_start3A_50 : memref<120x128xf32, #tpu.memory_space<hbm>>) target_semaphore(%arg11 : memref<!tpu.dma_semaphore, #tpu.memory_space<semaphore_mem>>)
      %add3A_51 = arith.constant 1 : i32
      %add3A_52 = arith.addi %mul3A_25, %add3A_51 : i32
      %mul3A_53 = arith.constant 120 : i32
      %mul3A_54 = arith.muli %add3A_52, %mul3A_53 : i32
      %dma_wait3A_55 = tpu.memref_slice %arg6[%mul3A_54] : memref<10320xi32, #tpu.memory_space<vmem>> -> memref<120xi32, #tpu.memory_space<vmem>>
      %dma_wait3A_56 = arith.constant 0 : i32
      %dma_wait3A_57 = arith.constant 0 : i32
      %dma_wait3A_58 = tpu.memref_slice %arg2[%dma_wait3A_56, %dma_wait3A_57] : memref<50000x128xf32, #tpu.memory_space<hbm>> -> memref<50000x128xf32, #tpu.memory_space<hbm>>
      tpu.wait_indirect_dma semaphore(%arg10 : memref<!tpu.dma_semaphore, #tpu.memory_space<semaphore_mem>>) src(%dma_wait3A_58 : memref<50000x128xf32, #tpu.memory_space<hbm>>) dst(%arg8 : memref<120x128xf32, #tpu.memory_space<vmem>>)
      %mul3A_59 = arith.constant 120 : i32
      %mul3A_60 = arith.muli %mul3A_25, %mul3A_59 : i32
      %add3A_61 = arith.addi %mul3A_2, %mul3A_60 : i32
      %dma_wait3A_62 = arith.constant 0 : i32
      %dma_wait3A_63 = tpu.memref_slice %arg5[%add3A_61, %dma_wait3A_62] : memref<330240x128xf32, #tpu.memory_space<hbm>> -> memref<120x128xf32, #tpu.memory_space<hbm>>
      %dma_wait3A_64 = arith.constant 0 : i32
      %dma_wait3A_65 = tpu.memref_slice %arg5[%add3A_61, %dma_wait3A_64] : memref<330240x128xf32, #tpu.memory_space<hbm>> -> memref<120x128xf32, #tpu.memory_space<hbm>>
      tpu.wait_dma2 semaphore(%arg11 : memref<!tpu.dma_semaphore, #tpu.memory_space<semaphore_mem>>) src(%arg7 : memref<120x128xf32, #tpu.memory_space<vmem>>) dst(%dma_wait3A_65 : memref<120x128xf32, #tpu.memory_space<hbm>>)
      %add3A_66 = arith.constant 1 : i32
      %add3A_67 = arith.addi %scan3A_23, %add3A_66 : i32
      %lt3A_68 = arith.constant 43 : i32
      %lt3A_69 = arith.cmpi slt, %add3A_67, %lt3A_68 : i32
      %convert_element_type3A_70 = arith.extui %lt3A_69 : i1 to i32
      %cond3A_71 = arith.constant 0 : i32
      %cond3A_72 = arith.cmpi ne, %convert_element_type3A_70, %cond3A_71 : i32
      scf.if %cond3A_72 {
        %add3A_82 = arith.constant 2 : i32
        %add3A_83 = arith.addi %mul3A_25, %add3A_82 : i32
        %mul3A_84 = arith.constant 120 : i32
        %mul3A_85 = arith.muli %add3A_83, %mul3A_84 : i32
        %dma_start3A_86 = tpu.memref_slice %arg6[%mul3A_85] : memref<10320xi32, #tpu.memory_space<vmem>> -> memref<120xi32, #tpu.memory_space<vmem>>
        %dma_start3A_87 = arith.constant 0 : i32
        %dma_start3A_88 = arith.constant 0 : i32
        %dma_start3A_89 = tpu.memref_slice %arg2[%dma_start3A_87, %dma_start3A_88] : memref<50000x128xf32, #tpu.memory_space<hbm>> -> memref<50000x128xf32, #tpu.memory_space<hbm>>
        tpu.enqueue_indirect_dma source(%dma_start3A_89 : memref<50000x128xf32, #tpu.memory_space<hbm>>) target(%arg7 : memref<120x128xf32, #tpu.memory_space<vmem>>) offsets(%dma_start3A_86 : memref<120xi32, #tpu.memory_space<vmem>>) semaphore(%arg9 : memref<!tpu.dma_semaphore, #tpu.memory_space<semaphore_mem>>)
      } else {
      }
      %add3A_73 = arith.constant 1 : i32
      %add3A_74 = arith.addi %mul3A_25, %add3A_73 : i32
      %mul3A_75 = arith.constant 120 : i32
      %mul3A_76 = arith.muli %add3A_74, %mul3A_75 : i32
      %add3A_77 = arith.addi %mul3A_2, %mul3A_76 : i32
      %dma_start3A_78 = arith.constant 0 : i32
      %dma_start3A_79 = tpu.memref_slice %arg5[%add3A_77, %dma_start3A_78] : memref<330240x128xf32, #tpu.memory_space<hbm>> -> memref<120x128xf32, #tpu.memory_space<hbm>>
      %dma_start3A_80 = arith.constant 0 : i32
      %dma_start3A_81 = tpu.memref_slice %arg5[%add3A_77, %dma_start3A_80] : memref<330240x128xf32, #tpu.memory_space<hbm>> -> memref<120x128xf32, #tpu.memory_space<hbm>>
      tpu.enqueue_dma source(%arg8 : memref<120x128xf32, #tpu.memory_space<vmem>>) target(%dma_start3A_81 : memref<120x128xf32, #tpu.memory_space<hbm>>) target_semaphore(%arg12 : memref<!tpu.dma_semaphore, #tpu.memory_space<semaphore_mem>>)
    }
    %scan3A_17 = arith.constant 43 : i32
    %add3A_18 = arith.constant 10200 : i32
    %add3A_19 = arith.addi %mul3A_2, %add3A_18 : i32
    %dma_wait3A = arith.constant 0 : i32
    %dma_wait3A_20 = tpu.memref_slice %arg5[%add3A_19, %dma_wait3A] : memref<330240x128xf32, #tpu.memory_space<hbm>> -> memref<120x128xf32, #tpu.memory_space<hbm>>
    %dma_wait3A_21 = arith.constant 0 : i32
    %dma_wait3A_22 = tpu.memref_slice %arg5[%add3A_19, %dma_wait3A_21] : memref<330240x128xf32, #tpu.memory_space<hbm>> -> memref<120x128xf32, #tpu.memory_space<hbm>>
    tpu.wait_dma2 semaphore(%arg12 : memref<!tpu.dma_semaphore, #tpu.memory_space<semaphore_mem>>) src(%arg8 : memref<120x128xf32, #tpu.memory_space<vmem>>) dst(%dma_wait3A_22 : memref<120x128xf32, #tpu.memory_space<hbm>>)
    return
  }
}

module attributes {stable_mosaic.version = 14 : i64} {
  func.func @_tc_mlp_body(%arg0: i32, %arg1: memref<2560x128xf32, #tpu.memory_space<vmem>>, %arg2: memref<80x128xf32, #tpu.memory_space<vmem>>, %arg3: memref<128x128xbf16, #tpu.memory_space<vmem>>, %arg4: memref<128x128xbf16, #tpu.memory_space<vmem>>, %arg5: memref<1x128xf32, #tpu.memory_space<vmem>>, %arg6: memref<128x128xbf16, #tpu.memory_space<vmem>>, %arg7: memref<1x128xf32, #tpu.memory_space<vmem>>, %arg8: memref<1x128xf32, #tpu.memory_space<vmem>>, %arg9: memref<80x128xf32, #tpu.memory_space<vmem>>) attributes {dimension_semantics = [#tpu.dimension_semantics<parallel>], iteration_bounds = array<i64: 125>, scalar_prefetch = 0 : i64, scratch_operands = 0 : i64, tpu.core_type = #tpu.core_type<tc>, window_params = [{transform_indices = @transform_0, window_bounds = array<i64: 2560, 128>}, {transform_indices = @transform_1, window_bounds = array<i64: 80, 128>}, {pipeline_mode = #tpu.pipeline_mode<synchronous>, transform_indices = @transform_2, window_bounds = array<i64: 128, 128>}, {pipeline_mode = #tpu.pipeline_mode<synchronous>, transform_indices = @transform_3, window_bounds = array<i64: 128, 128>}, {pipeline_mode = #tpu.pipeline_mode<synchronous>, transform_indices = @transform_4, window_bounds = array<i64: 1, 128>}, {pipeline_mode = #tpu.pipeline_mode<synchronous>, transform_indices = @transform_5, window_bounds = array<i64: 128, 128>}, {pipeline_mode = #tpu.pipeline_mode<synchronous>, transform_indices = @transform_6, window_bounds = array<i64: 1, 128>}, {pipeline_mode = #tpu.pipeline_mode<synchronous>, transform_indices = @transform_7, window_bounds = array<i64: 1, 128>}, {transform_indices = @transform_8, window_bounds = array<i64: 80, 128>}]} {
    %get3A = arith.constant 0 : index
    %get3A_0 = arith.constant 0 : index
    %get3A_1 = vector.load %arg1[%get3A, %get3A_0] : memref<2560x128xf32, #tpu.memory_space<vmem>>, vector<2560x128xf32>
    %get3A_2 = arith.constant 0 : index
    %get3A_3 = arith.constant 0 : index
    %get3A_4 = vector.load %arg2[%get3A_2, %get3A_3] : memref<80x128xf32, #tpu.memory_space<vmem>>, vector<80x128xf32>
    %convert_element_type3A = arith.truncf %get3A_1 : vector<2560x128xf32> to vector<2560x128xbf16>
    %get3A_5 = arith.constant 0 : index
    %get3A_6 = arith.constant 0 : index
    %get3A_7 = vector.load %arg3[%get3A_5, %get3A_6] : memref<128x128xbf16, #tpu.memory_space<vmem>>, vector<128x128xbf16>
    %dot_general3A = arith.constant dense<0.000000e+00> : vector<2560x128xf32>
    %dot_general3A_8 = tpu.matmul %convert_element_type3A, %get3A_7, %dot_general3A {dimension_numbers = #tpu.dot_dimension_numbers<[1], [0], [0], [1], [0, 0, 1, 1], [], []>, transpose_lhs_hint = false} : vector<2560x128xbf16>, vector<128x128xbf16>, vector<2560x128xf32> -> vector<2560x128xf32>
    %convert_element_type3A_9 = arith.truncf %get3A_4 : vector<80x128xf32> to vector<80x128xbf16>
    %get3A_10 = arith.constant 0 : index
    %get3A_11 = arith.constant 0 : index
    %get3A_12 = vector.load %arg4[%get3A_10, %get3A_11] : memref<128x128xbf16, #tpu.memory_space<vmem>>, vector<128x128xbf16>
    %dot_general3A_13 = arith.constant dense<0.000000e+00> : vector<80x128xf32>
    %dot_general3A_14 = tpu.matmul %convert_element_type3A_9, %get3A_12, %dot_general3A_13 {dimension_numbers = #tpu.dot_dimension_numbers<[1], [0], [0], [1], [0, 0, 1, 1], [], []>, transpose_lhs_hint = false} : vector<80x128xbf16>, vector<128x128xbf16>, vector<80x128xf32> -> vector<80x128xf32>
    %get3A_15 = arith.constant 0 : index
    %get3A_16 = arith.constant 0 : index
    %get3A_17 = vector.load %arg5[%get3A_15, %get3A_16] : memref<1x128xf32, #tpu.memory_space<vmem>>, vector<1x128xf32>
    %add3A = vector.broadcast %get3A_17 : vector<1x128xf32> to vector<80x128xf32>
    %add3A_18 = arith.addf %dot_general3A_14, %add3A : vector<80x128xf32>
    %reshape3A = vector.shape_cast %dot_general3A_8 : vector<2560x128xf32> to vector<80x32x128xf32>
    %broadcast_in_dim3A = vector.shape_cast %add3A_18 : vector<80x128xf32> to vector<80x1x128xf32>
    %add3A_19 = vector.broadcast %broadcast_in_dim3A : vector<80x1x128xf32> to vector<80x32x128xf32>
    %add3A_20 = arith.addf %reshape3A, %add3A_19 : vector<80x32x128xf32>
    %max3A = arith.constant 0.000000e+00 : f32
    %max3A_21 = vector.broadcast %max3A : f32 to vector<80x32x128xf32>
    %max3A_22 = arith.maximumf %add3A_20, %max3A_21 : vector<80x32x128xf32>
    %reshape3A_23 = vector.shape_cast %max3A_22 : vector<80x32x128xf32> to vector<2560x128xf32>
    %convert_element_type3A_24 = arith.truncf %reshape3A_23 : vector<2560x128xf32> to vector<2560x128xbf16>
    %get3A_25 = arith.constant 0 : index
    %get3A_26 = arith.constant 0 : index
    %get3A_27 = vector.load %arg6[%get3A_25, %get3A_26] : memref<128x128xbf16, #tpu.memory_space<vmem>>, vector<128x128xbf16>
    %dot_general3A_28 = arith.constant dense<0.000000e+00> : vector<2560x128xf32>
    %dot_general3A_29 = tpu.matmul %convert_element_type3A_24, %get3A_27, %dot_general3A_28 {dimension_numbers = #tpu.dot_dimension_numbers<[1], [0], [0], [1], [0, 0, 1, 1], [], []>, transpose_lhs_hint = false} : vector<2560x128xbf16>, vector<128x128xbf16>, vector<2560x128xf32> -> vector<2560x128xf32>
    %get3A_30 = arith.constant 0 : index
    %get3A_31 = arith.constant 0 : index
    %get3A_32 = vector.load %arg7[%get3A_30, %get3A_31] : memref<1x128xf32, #tpu.memory_space<vmem>>, vector<1x128xf32>
    %add3A_33 = vector.broadcast %get3A_32 : vector<1x128xf32> to vector<2560x128xf32>
    %add3A_34 = arith.addf %dot_general3A_29, %add3A_33 : vector<2560x128xf32>
    %max3A_35 = arith.constant 0.000000e+00 : f32
    %max3A_36 = vector.broadcast %max3A_35 : f32 to vector<2560x128xf32>
    %max3A_37 = arith.maximumf %add3A_34, %max3A_36 : vector<2560x128xf32>
    %reshape3A_38 = vector.shape_cast %max3A_37 : vector<2560x128xf32> to vector<80x32x128xf32>
    %get3A_39 = arith.constant 0 : index
    %get3A_40 = arith.constant 0 : index
    %get3A_41 = vector.load %arg8[%get3A_39, %get3A_40] : memref<1x128xf32, #tpu.memory_space<vmem>>, vector<1x128xf32>
    %broadcast_in_dim3A_42 = vector.shape_cast %get3A_41 : vector<1x128xf32> to vector<1x1x128xf32>
    %mul3A = vector.broadcast %broadcast_in_dim3A_42 : vector<1x1x128xf32> to vector<80x32x128xf32>
    %mul3A_43 = arith.mulf %reshape3A_38, %mul3A : vector<80x32x128xf32>
    %reduce_sum3A = arith.constant dense<0.000000e+00> : vector<80x32xf32>
    %reduce_sum3A_44 = vector.multi_reduction <add>, %mul3A_43, %reduce_sum3A [2] : vector<80x32x128xf32> to vector<80x32xf32>
    %broadcast_in_dim3A_45 = vector.shape_cast %reduce_sum3A_44 : vector<80x32xf32> to vector<80x32x1xf32>
    %reduce_max3A = arith.constant dense<0xFF800000> : vector<80x1xf32>
    %reduce_max3A_46 = vector.multi_reduction <maximumf>, %broadcast_in_dim3A_45, %reduce_max3A [1] : vector<80x32x1xf32> to vector<80x1xf32>
    %broadcast_in_dim3A_47 = vector.shape_cast %reduce_max3A_46 : vector<80x1xf32> to vector<80x1x1xf32>
    %sub3A = vector.broadcast %broadcast_in_dim3A_47 : vector<80x1x1xf32> to vector<80x32x1xf32>
    %sub3A_48 = arith.subf %broadcast_in_dim3A_45, %sub3A : vector<80x32x1xf32>
    %exp3A = math.exp %sub3A_48 : vector<80x32x1xf32>
    %reduce_sum3A_49 = arith.constant dense<0.000000e+00> : vector<80x1xf32>
    %reduce_sum3A_50 = vector.multi_reduction <add>, %exp3A, %reduce_sum3A_49 [1] : vector<80x32x1xf32> to vector<80x1xf32>
    %broadcast_in_dim3A_51 = vector.shape_cast %reduce_sum3A_50 : vector<80x1xf32> to vector<80x1x1xf32>
    %div3A = vector.broadcast %broadcast_in_dim3A_51 : vector<80x1x1xf32> to vector<80x32x1xf32>
    %div3A_52 = arith.divf %exp3A, %div3A : vector<80x32x1xf32>
    %reshape3A_53 = vector.shape_cast %get3A_1 : vector<2560x128xf32> to vector<80x32x128xf32>
    %mul3A_54 = vector.broadcast %div3A_52 : vector<80x32x1xf32> to vector<80x32x128xf32>
    %mul3A_55 = arith.mulf %reshape3A_53, %mul3A_54 : vector<80x32x128xf32>
    %reduce_sum3A_56 = arith.constant dense<0.000000e+00> : vector<80x128xf32>
    %reduce_sum3A_57 = vector.multi_reduction <add>, %mul3A_55, %reduce_sum3A_56 [1] : vector<80x32x128xf32> to vector<80x128xf32>
    %swap3A = arith.constant 0 : index
    %swap3A_58 = arith.constant 0 : index
    %swap3A_59 = vector.load %arg9[%swap3A, %swap3A_58] : memref<80x128xf32, #tpu.memory_space<vmem>>, vector<80x128xf32>
    tpu.vector_store %arg9[%swap3A, %swap3A_58], %reduce_sum3A_57 {strides = array<i32>} : memref<80x128xf32, #tpu.memory_space<vmem>>, vector<80x128xf32>,
    return
  }
  func.func @transform_0(%arg0: i32) -> (i32, i32) {
    %c0_i32 = arith.constant 0 : i32
    %c0_i32_0 = arith.constant 0 : i32
    return %arg0, %c0_i32 : i32, i32
  }
  func.func @transform_1(%arg0: i32) -> (i32, i32) {
    %add3A = arith.constant 4000 : i32
    %add3A_0 = arith.addi %add3A, %arg0 : i32
    %c0_i32 = arith.constant 0 : i32
    %c0_i32_1 = arith.constant 0 : i32
    return %add3A_0, %c0_i32 : i32, i32
  }
  func.func @transform_2(%arg0: i32) -> (i32, i32) {
    %c0_i32 = arith.constant 0 : i32
    %c0_i32_0 = arith.constant 0 : i32
    %c0_i32_1 = arith.constant 0 : i32
    return %c0_i32, %c0_i32_0 : i32, i32
  }
  func.func @transform_3(%arg0: i32) -> (i32, i32) {
    %c0_i32 = arith.constant 0 : i32
    %c0_i32_0 = arith.constant 0 : i32
    %c0_i32_1 = arith.constant 0 : i32
    return %c0_i32, %c0_i32_0 : i32, i32
  }
  func.func @transform_4(%arg0: i32) -> (i32, i32) {
    %c0_i32 = arith.constant 0 : i32
    %c0_i32_0 = arith.constant 0 : i32
    %c0_i32_1 = arith.constant 0 : i32
    return %c0_i32, %c0_i32_0 : i32, i32
  }
  func.func @transform_5(%arg0: i32) -> (i32, i32) {
    %c0_i32 = arith.constant 0 : i32
    %c0_i32_0 = arith.constant 0 : i32
    %c0_i32_1 = arith.constant 0 : i32
    return %c0_i32, %c0_i32_0 : i32, i32
  }
  func.func @transform_6(%arg0: i32) -> (i32, i32) {
    %c0_i32 = arith.constant 0 : i32
    %c0_i32_0 = arith.constant 0 : i32
    %c0_i32_1 = arith.constant 0 : i32
    return %c0_i32, %c0_i32_0 : i32, i32
  }
  func.func @transform_7(%arg0: i32) -> (i32, i32) {
    %c0_i32 = arith.constant 0 : i32
    %c0_i32_0 = arith.constant 0 : i32
    %c0_i32_1 = arith.constant 0 : i32
    return %c0_i32, %c0_i32_0 : i32, i32
  }
  func.func @transform_8(%arg0: i32) -> (i32, i32) {
    %c0_i32 = arith.constant 0 : i32
    %c0_i32_0 = arith.constant 0 : i32
    return %arg0, %c0_i32 : i32, i32
  }
}

</mosaic_0001>

<sc_bundles>
// kernel: kernel.4.cloned.1.call-start
scs
__scs_entry_jumppad:
0x0: {  	(pc) =	sbr.rel $0x88, $3  }
0x1: {  	(tag) =	ssettag $0x0;
	lr =	simm.s32 $0x1  }
0x2: {  	[smem:$0x3F99] =	sst lr;
	_ =	strace $0xD0000000  }
0x3: {  	_ = 	snop  }
0x4: {  	_ = 	snop  }
0x5: {  	_ = 	snop  }
0x6: {  	_ = 	snop  }
0x7: {  	_ = 	snop  }
__scs_overlays_trampoline_lowered:
0x8: {  	[smem:$0x3FA8] =	sst s0  }
0x9: {  	[smem:$0x3FA9] =	sst s1  }
0xa: {  	[smem:$0x3FAA] =	sst s2  }
0xb: {  	[smem:$0x3FAB] =	sst s3  }
0xc: {  	[smem:$0x3FAC] =	sst s4  }
0xd: {  	[smem:$0x3FAD] =	sst s5  }
0xe: {  	[smem:$0x3FAE] =	sst s6  }
0xf: {  	[smem:$0x3FAF] =	sst s7  }
0x10: {  	[smem:$0x3FB0] =	sst s8  }
0x11: {  	[smem:$0x3FB1] =	sst s9;
	s0 =	simm.s32 @!p0 $0x0  }
0x12: {  	s1 =	sld [smem:$0x3F97];
	s0 =	simm.s32 @p0 $0x1  }
0x13: {  	[smem:$0x3FB2] =	sst s0;
	s0 =	simm.s32 @!p1 $0x0  }
0x14: {  	s2 =	sld [smem:$0x3F96];
	s0 =	simm.s32 @p1 $0x1  }
0x15: {  	[smem:$0x3FB3] =	sst s0;
	s0 =	simm.s32 @!p2 $0x0  }
0x16: {  	s3 =	sld [smem:$0x3FDB];
	s0 =	simm.s32 @p2 $0x1  }
0x17: {  	s4 =	simm.s32 $0x1BF5;
	[smem:$0x3FB5] =	sst s0  }
0x18: {  	s0 =	sld [smem:$0x3F98];
	_ =	swait.ge [sflag:s4], $0x0  }
0x19: {  	s7 =	sld [smem:$0x3F99]  }
0x1a: {  	s8 =	sadd.s32 $0xFFFFE003, lr  }
0x1b: {  	s9 =	sadd.s32 $0xFFFFFEF7, lr;
	s5 =	simm.s32 $0xFFFFFFFF;
	p2 =	slt.u32 s8, $0xFFFFF086  }
0x1c: {  	p1 =	slt.u32 s9, $0xF7A;
	s5 =	simm.s32 @!p2 $0x0  }
0x1d: {  	s5 =	simm.s32 @p1 $0x1;
	p0 =	seq.s32 s7, s2  }
0x1e: {  	s7 =	smul.u32 @!p0 $0xF7A, s2;
	p2 =	seq.s32 @!p0 s5, $0x0  }
0x1f: {  	s9 =	smul.u32 $0xF7A, s1;
	s8 =	simm.s32 @!p0 $0x1BF5;
	p2 =	por !p2, p0  }
0x20: {  	[sflag:s8] =	ssyncset.s32 @!p0 $0xFFFFF086;
	s6 =	sadd.s32 @!p0 s3, s7;
	s7 =	simm.s32 @!p0 $0x108  }
0x21: {  	s3 =	sadd.s32 s3, s9;
	s6 =	sadd.s32 @!p0 $0x88, s6;
	s7 =	simm.s32 @p2 $0x1082  }
0x22: {  	[simem:s7], [sflag:s8] =	dma.local @!p0 [hbm:s6], $0xF7A  }
0x23: {  	s9 =	sor.u32 $0xD0000000, s2;
	s6 =	simm.s32 $0x108;
	_ =	swait.ge @!p0 [sflag:s8], $0x0  }
0x24: {  	s3 =	sadd.s32 $0x88, s3;
	s6 =	simm.s32 @!p1 $0x1082;
	[sflag:s4] =	ssyncset.s32 $0xFFFFF086  }
0x25: {  	[simem:s6], [sflag:s4] =	dma.local [hbm:s3], $0xF7A  }
0x26: {  	[smem:$0x3F99] =	sst s1;
	(tag) =	ssettag s2;
	_ =	strace s9  }
0x27: {  	s1 =	sld [smem:$0x3FA9]  }
0x28: {  	s2 =	sld [smem:$0x3FAA]  }
0x29: {  	s4 =	sld [smem:$0x3FAC]  }
0x2a: {  	p0 =	seq.s32 s5, $0x0;
	s5 =	sld [smem:$0x3FAD]  }
0x2b: {  	s6 =	sld [smem:$0x3FAE]  }
0x2c: {  	s7 =	sld [smem:$0x3FAF]  }
0x2d: {  	s3 =	simm.s32 $0x108;
	s8 =	sld [smem:$0x3FB0]  }
0x2e: {  	s3 =	simm.s32 @!p0 $0x1082;
	s9 =	sld [smem:$0x3FB1]  }
0x2f: {  	lr =	sadd.s32 s0, s3;
	s0 =	sld [smem:$0x3FA8]  }
0x30: {  	s3 =	sld [smem:$0x3FAB]  }
0x31: {  	[smem:$0x3FB4] =	sst s10  }
0x32: {  	s10 =	sld [smem:$0x3FB2];
	_ =	sdelay $0x3  }
0x33: {  	p0 =	seq.s32 s10, $0x1;
	s10 =	sld [smem:$0x3FB4];
	_ =	sdelay $0x3  }
0x34: {  	[smem:$0x3FB4] =	sst s10  }
0x35: {  	s10 =	sld [smem:$0x3FB3];
	_ =	sdelay $0x3  }
0x36: {  	p1 =	seq.s32 s10, $0x1;
	s10 =	sld [smem:$0x3FB4];
	_ =	sdelay $0x3  }
0x37: {  	[smem:$0x3FB4] =	sst s10  }
0x38: {  	s10 =	sld [smem:$0x3FB5]  }
0x39: {  	_ = 	snop;
	(pc) =	sbr.ind lr, $3  }
0x3a: {  	_ = 	snop  }
0x3b: {  	_ = 	snop  }
0x3c: {  	p2 =	seq.s32 s10, $0x1;
	s10 =	sld [smem:$0x3FB4]  }
0x3d: {  	_ =	shalt  }
0x3e: {  	_ =	shalt  }
0x3f: {  	_ =	shalt  }
0x40: {  	_ =	shalt  }
0x41: {  	_ =	shalt  }
0x42: {  	_ =	shalt  }
0x43: {  	_ =	shalt  }
0x44: {  	_ =	shalt  }
0x45: {  	_ =	shalt  }
0x46: {  	_ =	shalt  }
0x47: {  	_ =	shalt  }
0x48: {  	_ =	shalt  }
0x49: {  	_ =	shalt  }
0x4a: {  	_ =	shalt  }
0x4b: {  	_ =	shalt  }
0x4c: {  	_ =	shalt  }
0x4d: {  	_ =	shalt  }
0x4e: {  	_ =	shalt  }
0x4f: {  	_ =	shalt  }
0x50: {  	_ =	shalt  }
0x51: {  	_ =	shalt  }
0x52: {  	_ =	shalt  }
0x53: {  	_ =	shalt  }
0x54: {  	_ =	shalt  }
0x55: {  	_ =	shalt  }
0x56: {  	_ =	shalt  }
0x57: {  	_ =	shalt  }
0x58: {  	_ =	shalt  }
0x59: {  	_ =	shalt  }
0x5a: {  	_ =	shalt  }
0x5b: {  	_ =	shalt  }
0x5c: {  	_ =	shalt  }
0x5d: {  	_ =	shalt  }
0x5e: {  	_ =	shalt  }
0x5f: {  	_ =	shalt  }
0x60: {  	_ =	shalt  }
0x61: {  	_ =	shalt  }
0x62: {  	_ =	shalt  }
0x63: {  	_ =	shalt  }
0x64: {  	_ =	shalt  }
0x65: {  	_ =	shalt  }
0x66: {  	_ =	shalt  }
0x67: {  	_ =	shalt  }
0x68: {  	_ =	shalt  }
0x69: {  	_ =	shalt  }
0x6a: {  	_ =	shalt  }
0x6b: {  	_ =	shalt  }
0x6c: {  	_ =	shalt  }
0x6d: {  	_ =	shalt  }
0x6e: {  	_ =	shalt  }
0x6f: {  	_ =	shalt  }
0x70: {  	_ =	shalt  }
0x71: {  	_ =	shalt  }
0x72: {  	_ =	shalt  }
0x73: {  	_ =	shalt  }
0x74: {  	_ =	shalt  }
0x75: {  	_ =	shalt  }
0x76: {  	_ =	shalt  }
0x77: {  	_ =	shalt  }
0x78: {  	_ =	shalt  }
0x79: {  	_ =	shalt  }
0x7a: {  	_ =	shalt  }
0x7b: {  	_ =	shalt  }
0x7c: {  	_ =	shalt  }
0x7d: {  	_ =	shalt  }
0x7e: {  	_ =	shalt  }
0x7f: {  	_ =	shalt  }
0x80: {  	_ =	shalt  }
0x81: {  	_ =	shalt  }
0x82: {  	_ =	shalt  }
0x83: {  	_ =	shalt  }
0x84: {  	_ =	shalt  }
0x85: {  	_ =	shalt  }
0x86: {  	_ =	shalt  }
0x87: {  	_ =	shalt  }
.Lfunc_end0:
.L_simem_size_0:
called_computation_lowered:
.L_overlay_start_0:
0x88: {  	s2 =	sld [smem:$0x3FD9]  }
0x89: {  	s3 =	sld [smem:$0x3FFE];
	_ =	sdelay $0x1  }
0x8a: {  	s1 =	srdreg.scid  }
0x8b: {  	s0 =	sand.u32 $0x1, s1  }
0x8c: {  	s17 =	sshll.u32 s0, $0xA;
	s2 =	sadd.s32 s3, s2  }
0x8d: {  	s2 =	sadd.s32 s2, s17  }
0x8e: {  	[smem:$0x3FC0] =	sst s2  }
0x8f: {  	_ = 	snop  }
0x90: {  	s2 =	sld [smem:$0x3FC7]  }
0x91: {  	s18 =	sld [smem:$0x3FD0];
	(tm) =	ssettm $0x1  }
0x92: {  	s4 =	sld [smem:$0x3FFB];
	_ =	sdelay $0x3  }
0x93: {  	_ =	strace s4  }
0x94: {  	s4 =	sld [smem:$0x3FFC];
	_ =	sdelay $0x3  }
0x95: {  	_ =	strace s4  }
0x96: {  	s4 =	sld [smem:$0x3FFD];
	_ =	sdelay $0x3  }
0x97: {  	_ =	strace s4  }
0x98: {  	_ =	strace $0x8FFFFFFF  }
0x99: {  	s19 =	sld [smem:$0x3FDB];
	_ =	sdelay $0x1  }
0x9a: {  	s5 =	simm.s32 $_scs_section_size  }
0x9b: {  	s6 =	simm.s32 $_size__tile_overlayer_lowered;
	s7 =	simm.s32 $_tile_overlayer_lowered  }
0x9c: {  	s22 =	simm.s32 $0x1BFF;
	s21 =	sshll.u32 s7, $0x1;
	s4 =	sadd.s32 s5, s19  }
0x9d: {  	s8 =	simm.s32 $0x0;
	s20 =	sshll.u32 s6, $0x1;
	s6 =	sadd.s32 s21, s4  }
0x9e: {  	[timem:s8], [sflag:s22] =	dma.local [hbm:s6], s20  }
0x9f: {  	_ =	swait.ge [sflag:s22], s20  }
0xa0: {  	s5 =	ssub.s32 $0x0, s20;
	[sflag:s22] =	ssyncset.done $0x0  }
0xa1: {  	[sflag:s22] =	ssyncadd.s32 s5;
	_ =	sdelay $0x1  }
0xa2: {  	s23 =	simm.s32 $0x1B8B  }
0xa3: {  	_ =	swait.ge [sflag:s23], $0x1  }
0xa4: {  	[sflag:s23] =	ssyncset.done $0x0  }
0xa5: {  	s25 =	simm.s32 $0x1B8E;
	s24 =	sld [smem:$0x3FFE];
	[sflag:s23] =	ssyncadd.s32 $0xFFFFFFFF  }
0xa6: {  	s26 =	simm.s32 $execute0_lowered;
	[smem:$0x3FD2] =	sst s25  }
0xa7: {  	s6 =	sshll.u32 s26, $0x1;
	_ =	strace $0x80000046;
	[dreg:$0x1] =	wrdreg $0xFFFFFFFF  }
0xa8: {  	s28 =	simm.s32 $_size_execute0_lowered;
	s4 =	sadd.s32 s4, s6;
	[dreg:$0x0] =	wrdreg $0x0  }
0xa9: {  	s6 =	sshll.u32 s28, $0x1;
	[dreg:$0x2] =	wrdreg s4  }
0xaa: {  	[dreg:$0x3] =	wrdreg s6  }
0xab: {  	[dreg:$0x4] =	wrdreg $0xC0  }
0xac: {  	_ =	task [dreg:s8], $0x5FFFF  }
0xad: {  	[dreg:$0x1] =	wrdreg $0xFFFFFFFF  }
0xae: {  	[dreg:$0x0] =	wrdreg $0x60  }
0xaf: {  	[dreg:$0x2] =	wrdreg s2  }
0xb0: {  	[dreg:$0x3] =	wrdreg s18  }
0xb1: {  	[dreg:$0x4] =	wrdreg s24  }
0xb2: {  	[dreg:$0x5] =	wrdreg $0x9  }
0xb3: {  	_ =	task.clear_ibuf [dreg:s8], $0x6FFFF;
	_ =	strace $0x90000046  }
0xb4: {  	s29 =	simm.s32 $0x9;
	_ =	strace $0x80000048  }
0xb5: {  	_ =	swait.ge [sflag:s29], $0x1  }
0xb6: {  	[sflag:s29] =	ssyncadd.s32 $0xFFFFFFFF  }
0xb7: {  	_ =	strace $0x90000048  }
0xb8: {  	_ =	sfence  }
0xb9: {  	s30 =	sld [smem:$0x0];
	_ =	sdelay $0x2  }
0xba: {  	s31 =	sshll.u32 s1, $0xD;
	s1 =	sshrl.u32 s1, $0x2  }
0xbb: {  	s3 =	sand.u32 $0x4000, s31;
	s1 =	sadd.s32 s1, s30  }
0xbc: {  	s0 =	sor.u32 s3, s0;
	s1 =	sshll.u32 s1, $0x11  }
0xbd: {  	s0 =	sor.u32 s1, s0  }
0xbe: {  	s0 =	sadd.s32 $0x8F2B, s0  }
0xbf: {  	[sflag:s0] =	ssyncadd.remote.s32 $0x1  }
0xc0: {  	_ =	sfence.sel $0xFFFF  }
0xc1: {  	[dreg:$0x0] =	wrdreg $0xFFFFFFFF;
	(pc) =	sbr.abs _section_cstart, $3  }
0xc2: {  	[dreg:$0x1] =	wrdreg $0xFFFFFFFF  }
0xc3: {  	_ =	task.clear_ibuf [dreg:s8], $0x2FFFF;
	_ =	strace $0x9FFFFFFF  }
0xc4: {  	(tm) =	ssettm $0x7FFFFFFF  }
0xc5: {  	_ =	shalt  }
tec
execute0_lowered:
.L_overlay_start_1:
0x0: {  	(tag) =	ssettag $0x1  }
0x1: {  	s1 =	rddreg [dreg:$0x0]  }
0x2: {  	s6 =	rddreg [dreg:$0x1]  }
0x3: {  	s5 =	rddreg [dreg:$0x2]  }
0x4: {  	s0 =	rddreg [dreg:$0x3];
	s4 =	srdreg.scid  }
0x5: {  	s2 =	stileid.u32;
	s3 =	simm.s32 $0x0;
	s15 =	simm.s32 $0x6480  }
0x6: {  	s16 =	simm.s32 $0x2;
	s17 =	simm.s32 $0x3;
	s18 =	simm.s32 $0xF0  }
0x7: {  	s19 =	simm.s32 $0x4;
	s20 =	simm.s32 $0x0;
	s7 =	sand.u32 $0x1, s4  }
0x8: {  	s28 =	sshll.u32 s2, $0x1;
	[smem:$0x7FF] =	sst s3;
	s13 =	smul.u32 $0x50A00, s2  }
0x9: {  	s4 =	sadd.s32 $0x1200, s5;
	s12 =	sor.u32 s7, s28;
	s14 =	smul.u32 $0x28500, s7  }
0xa: {  	s9 =	sadd.s32 $0x1800, s5;
	s29 =	ssub.s32 $0x2, s7;
	s8 =	smul.u32 $0x2850, s12  }
0xb: {  	_ =	strace $0x80000047;
	s10 =	smul.u32 $0x28500, s12;
	s11 =	sshrl.u32 s29, $0x1  }
0xc: {  	s30 =	sadd.s32 s13, s9;
	p0 =	seq.s32 s12, $0x1F;
	s12 =	simm.s32 $0x78  }
0xd: {  	s13 =	simm.s32 $0x2880;
	s11 =	ssub.s32 s29, s11;
	s31 =	sadd.s32 s14, s30  }
0xe: {  	s14 =	simm.s32 $0x1;
	s8 =	sshrl.u32 s8, $0x3;
	s7 =	sadd.s32 s9, s10  }
0xf: {  	s5 =	sadd.s32 s6, s8;
	s6 =	sadd.s32 $0x9C36, s6;
	s8 =	smax.u32 s11, $0x1  }
0x10: {  	s9 =	sadd.s32 $0x780, s7;
	s10 =	sadd.s32 $0x27600, s7;
	s11 =	sadd.s32 $0x1680, s31  }
.LBB2_1:
0x11: {  	s21 =	simm.s32 @p0 $0x0;
	s22 =	simm.s32 @p0 $0x5  }
0x12: {  	[tilespmem:s21], [sflag:$0x5] =	stream.linear.gather @p0 [hbm4b:s6+s21], $0x50, $0x38;
	[tilespmem:$0xA080] =	vst v63  }
0x13: {  	_ =	swait.ge @p0 [sflag:s22], $0x50  }
0x14: {  	[sflag:s22] =	ssyncset.done @p0 $0x0  }
0x15: {  	s23 =	simm.s32 @p0 $0x50;
	[sflag:s22] =	ssyncadd.s32 @p0 $0xFFFFFFB0  }
0x16: {  	[tilespmem:s23], [sflag:$0x5] =	stream.linear.gather @p0 [hbm4b:s4+s21], $0x2800, $0x38;
	[tilespmem:$0xA080] =	vst v63  }
0x17: {  	_ =	swait.ge @p0 [sflag:s22], $0x2800  }
0x18: {  	[sflag:s22] =	ssyncset.done @p0 $0x0  }
0x19: {  	s21 =	simm.s32 @!p0 $0x0;
	[sflag:s22] =	ssyncadd.s32 @p0 $0xFFFFD800  }
0x1a: {  	[tilespmem:s21], [sflag:$0x5] =	stream.linear.gather @!p0 [hbm4b:s5+s21], $0x2850, $0x38;
	[tilespmem:$0xA080] =	vst v63  }
0x1b: {  	s21 =	simm.s32 @!p0 $0x5  }
0x1c: {  	_ =	swait.ge @!p0 [sflag:s21], $0x2850  }
0x1d: {  	[sflag:s21] =	ssyncset.done @!p0 $0x0  }
0x1e: {  	[sflag:s21] =	ssyncadd.s32 @!p0 $0xFFFFD7B0  }
0x1f: {  	[tilespmem:s13], [sflag:$0x1] =	stream.indirect.gather [hbm4b:s1+s12], $0x80, s3, s12, $0xb8;
	[tilespmem:$0xA080] =	vst v63  }
0x20: {  	_ =	swait.ge [sflag:s14], $0x3C00  }
0x21: {  	[sflag:s14] =	ssyncset.done $0x0  }
0x22: {  	[sflag:s14] =	ssyncadd.s32 $0xFFFFC400  }
0x23: {  	[tilespmem:s15], [sflag:$0x2] =	stream.indirect.gather [hbm4b:s1+s12], $0x80, s12, s12, $0xb8;
	[tilespmem:$0xA080] =	vst v63  }
0x24: {  	_ = 	snop  }
0x25: {  	[hbm4b:s7+s3] =	stream.linear.scatter [tilespmem:s13], [sflag:$0x3], $0x3C00, $0x38;
	[tilespmem:$0xA080] =	vst v63  }
0x26: {  	_ =	swait.ge [sflag:s16], $0x3C00  }
0x27: {  	[sflag:s16] =	ssyncset.done $0x0  }
0x28: {  	[sflag:s16] =	ssyncadd.s32 $0xFFFFC400  }
0x29: {  	_ =	swait.ge [sflag:s17], $0x3C00  }
0x2a: {  	[sflag:s17] =	ssyncset.done $0x0  }
0x2b: {  	[sflag:s17] =	ssyncadd.s32 $0xFFFFC400  }
0x2c: {  	[tilespmem:s13], [sflag:$0x1] =	stream.indirect.gather [hbm4b:s1+s12], $0x80, s18, s12, $0xb8;
	[tilespmem:$0xA080] =	vst v63  }
0x2d: {  	_ = 	snop  }
0x2e: {  	[hbm4b:s9+s3] =	stream.linear.scatter [tilespmem:s15], [sflag:$0x4], $0x3C00, $0x38;
	[tilespmem:$0xA080] =	vst v63  }
0x2f: {  	_ =	swait.ge [sflag:s14], $0x3C00  }
0x30: {  	[sflag:s14] =	ssyncset.done $0x0  }
0x31: {  	[sflag:s14] =	ssyncadd.s32 $0xFFFFC400  }
0x32: {  	_ =	swait.ge [sflag:s19], $0x3C00  }
0x33: {  	[sflag:s19] =	ssyncset.done $0x0  }
0x34: {  	s29 =	simm.s32 $0x168;
	[sflag:s19] =	ssyncadd.s32 $0xFFFFC400  }
0x35: {  	[tilespmem:s15], [sflag:$0x2] =	stream.indirect.gather [hbm4b:s1+s12], $0x80, s29, s12, $0xb8;
	[tilespmem:$0xA080] =	vst v63  }
0x36: {  	s30 =	sadd.s32 $0xFFFFF880, s11  }
0x37: {  	[hbm4b:s30+s3] =	stream.linear.scatter [tilespmem:s13], [sflag:$0x3], $0x3C00, $0x38;
	[tilespmem:$0xA080] =	vst v63  }
0x38: {  	_ =	swait.ge [sflag:s16], $0x3C00  }
0x39: {  	[sflag:s16] =	ssyncset.done $0x0  }
0x3a: {  	[sflag:s16] =	ssyncadd.s32 $0xFFFFC400  }
0x3b: {  	_ =	swait.ge [sflag:s17], $0x3C00  }
0x3c: {  	s31 =	simm.s32 $0x1E0;
	s23 =	smov.u32 s11;
	[sflag:s17] =	ssyncset.done $0x0  }
0x3d: {  	s22 =	simm.s32 $0x3C0;
	s21 =	sadd.s32 $0xF00, s11;
	[sflag:s17] =	ssyncadd.s32 $0xFFFFC400  }
0x3e: {  	[tilespmem:s13], [sflag:$0x1] =	stream.indirect.gather [hbm4b:s1+s12], $0x80, s31, s12, $0xb8;
	[tilespmem:$0xA080] =	vst v63  }
.LBB2_2:
0x3f: {  	[hbm4b:s23+s3] =	stream.linear.scatter [tilespmem:s15], [sflag:$0x4], $0x3C00, $0x38;
	[tilespmem:$0xA080] =	vst v63  }
0x40: {  	s24 =	smov.u32 s22;
	s22 =	sadd.s32 $0x3C0, s22;
	_ =	swait.ge [sflag:s14], $0x3C00  }
0x41: {  	s23 =	smov.u32 s21;
	p1 =	sne.s32 s22, $0x99C0;
	[sflag:s14] =	ssyncset.done $0x0  }
0x42: {  	[sflag:s14] =	ssyncadd.s32 $0xFFFFC400  }
0x43: {  	_ =	swait.ge [sflag:s19], $0x3C00  }
0x44: {  	s24 =	sshra.s32 s24, $0x2;
	[sflag:s19] =	ssyncset.done $0x0  }
0x45: {  	s25 =	sadd.s32 $0x168, s24;
	[sflag:s19] =	ssyncadd.s32 $0xFFFFC400  }
0x46: {  	[tilespmem:s15], [sflag:$0x2] =	stream.indirect.gather [hbm4b:s1+s12], $0x80, s25, s12, $0xb8;
	[tilespmem:$0xA080] =	vst v63  }
0x47: {  	s25 =	sadd.s32 $0xFFFFF880, s21  }
0x48: {  	[hbm4b:s25+s3] =	stream.linear.scatter [tilespmem:s13], [sflag:$0x3], $0x3C00, $0x38;
	[tilespmem:$0xA080] =	vst v63  }
0x49: {  	_ =	swait.ge [sflag:s16], $0x3C00  }
0x4a: {  	[sflag:s16] =	ssyncset.done $0x0  }
0x4b: {  	[sflag:s16] =	ssyncadd.s32 $0xFFFFC400  }
.Ltmp0:
0x4c: {  	_ =	swait.ge [sflag:s17], $0x3C00;
	(pc) =	sbr.rel @p1 .LBB2_2-.Ltmp0, $4  }
0x4d: {  	[sflag:s17] =	ssyncset.done $0x0  }
0x4e: {  	s24 =	sadd.s32 $0x1E0, s24;
	[sflag:s17] =	ssyncadd.s32 $0xFFFFC400  }
0x4f: {  	[tilespmem:s13], [sflag:$0x1] =	stream.indirect.gather [hbm4b:s1+s12], $0x80, s24, s12, $0xb8;
	[tilespmem:$0xA080] =	vst v63  }
0x50: {  	s21 =	sadd.s32 $0xF00, s21  }
0x51: {  	[hbm4b:s23+s3] =	stream.linear.scatter [tilespmem:s15], [sflag:$0x4], $0x3C00, $0x38;
	[tilespmem:$0xA080] =	vst v63  }
0x52: {  	_ =	swait.ge [sflag:s14], $0x3C00  }
0x53: {  	[sflag:s14] =	ssyncset.done $0x0  }
0x54: {  	[sflag:s14] =	ssyncadd.s32 $0xFFFFC400  }
0x55: {  	_ =	swait.ge [sflag:s19], $0x3C00  }
0x56: {  	s22 =	sshra.s32 s22, $0x2;
	[sflag:s19] =	ssyncset.done $0x0  }
0x57: {  	s22 =	sadd.s32 $0x168, s22;
	[sflag:s19] =	ssyncadd.s32 $0xFFFFC400  }
0x58: {  	[tilespmem:s15], [sflag:$0x2] =	stream.indirect.gather [hbm4b:s1+s12], $0x80, s22, s12, $0xb8;
	[tilespmem:$0xA080] =	vst v63  }
0x59: {  	_ = 	snop  }
0x5a: {  	[hbm4b:s10+s3] =	stream.linear.scatter [tilespmem:s13], [sflag:$0x3], $0x3C00, $0x38;
	[tilespmem:$0xA080] =	vst v63  }
0x5b: {  	_ =	swait.ge [sflag:s16], $0x3C00  }
0x5c: {  	[sflag:s16] =	ssyncset.done $0x0  }
0x5d: {  	[sflag:s16] =	ssyncadd.s32 $0xFFFFC400  }
0x5e: {  	s20 =	sadd.s32 $0x1, s20;
	_ =	swait.ge [sflag:s17], $0x3C00  }
0x5f: {  	p1 =	sne.s32 s20, s8;
	[sflag:s17] =	ssyncset.done $0x0  }
.Ltmp1:
0x60: {  	[sflag:s17] =	ssyncadd.s32 $0xFFFFC400;
	(pc) =	sbr.rel @p1 .LBB2_1-.Ltmp1, $4  }
0x61: {  	[hbm4b:s21+s3] =	stream.linear.scatter [tilespmem:s15], [sflag:$0x4], $0x3C00, $0x38;
	[tilespmem:$0xA080] =	vst v63  }
0x62: {  	_ =	swait.ge [sflag:s19], $0x3C00  }
0x63: {  	[sflag:s19] =	ssyncset.done $0x0  }
0x64: {  	[sflag:s19] =	ssyncadd.s32 $0xFFFFC400  }
0x65: {  	_ =	sfence.sel $0x180000  }
0x66: {  	[bflag:$0x0] =	sbarrier.arrive $0xFFFF  }
0x67: {  	p0 =	sne.s32 s2, $0x0;
	_ =	strace $0x90000047  }
0x68: {  	s0 =	sadd.s32 @!p0 $0x100000, s0;
	[bflag:$0x2] =	sbarrier.arrive $0xFFFF  }
0x69: {  	[sflag:s0] =	ssyncadd.tile.s32 @!p0 $0x1;
	_ =	shalt  }
.Lfunc_end2:
_tile_overlayer_lowered:
.L_overlay_start_2:
0x6a: {  	(tag) =	ssettag $0x2  }
0x6b: {  	s0 =	rddreg [dreg:$0x0];
	s2 =	stileid.u32  }
0x6c: {  	s1 =	rddreg [dreg:$0x1];
	p0 =	sne.s32 s2, $0x0  }
0x6d: {  	s3 =	rddreg [dreg:$0x2];
	[bflag:$0x3] =	sbarrier.arrive $0xFFFF;
	s2 =	simm.s32 @!p0 $0x1C05  }
0x6e: {  	[timem:s3], [sflag:s2] =	dma.local @!p0 [hbm:s0], s1  }
0x6f: {  	s0 =	simm.s32 @!p0 $0x5  }
0x70: {  	_ =	swait.ge @!p0 [sflag:s0], s1  }
0x71: {  	s1 =	ssub.s32 @!p0 $0x0, s1;
	[sflag:s0] =	ssyncset.done @!p0 $0x0  }
0x72: {  	[sflag:s0] =	ssyncadd.s32 @!p0 s1  }
0x73: {  	[bflag:$0x3] =	sbarrier.arrive $0xFFFF  }
0x74: {  	_ =	shalt  }

</sc_bundles>
